<compile_context>
chip_gen: v7x
topology: tpu7x:2x2x1
jax: 0.10.2.dev20260603
libtpu: 0.0.44.dev20260713+nightly
codegen_flags: <defaults>
</compile_context>

<pallas_src>
import functools

import jax
import jax.numpy as jnp
import numpy as np
from jax import lax
from jax.experimental import pallas as pl
from jax.experimental.pallas import tpu as pltpu
from jax.experimental.pallas import tpu_sc as plsc

H = 768
NW = 32
C = 32
NSLOT = 4
RB = 2048
NCHUNK = 2



def _gather_body(tok_base, n_chunk, ids_hbm, word_hbm, out_hbm, ids_v,
                 buf0, buf1, buf2, buf3,
                 gsem0, gsem1, gsem2, gsem3, ssem0, ssem1, ssem2, ssem3):
    nc = 2
    wid = lax.axis_index("s") * nc + lax.axis_index("c")
    tpw = n_chunk // NW
    nch = tpw // C
    tok0 = tok_base + wid * tpw

    pltpu.sync_copy(ids_hbm.at[pl.ds(tok0, tpw)], ids_v)

    bufs = (buf0, buf1, buf2, buf3)
    gsems = (gsem0, gsem1, gsem2, gsem3)
    ssems = (ssem0, ssem1, ssem2, ssem3)

    def gather_desc(g, s):
        idx = ids_v.at[pl.ds(g * C, C)]
        return pltpu.make_async_copy(word_hbm.at[idx], bufs[s], gsems[s])

    def scatter_desc(g, s):
        return pltpu.make_async_copy(
            bufs[s], out_hbm.at[pl.ds(tok0 + g * C, C)], ssems[s])

    gather_desc(0, 0).start()
    gather_desc(1, 1).start()

    def round_iter(i, carry):
        for s in range(NSLOT):
            g = i * NSLOT + s
            gather_desc(g, s).wait()
            scatter_desc(g, s).start()

            @pl.when(g + 2 < nch)
            def _():
                @pl.when(g >= 2)
                def _():
                    scatter_desc(g - 2, (s - 2) % NSLOT).wait()
                gather_desc(g + 2, (s + 2) % NSLOT).start()
        return carry

    lax.fori_loop(0, nch // NSLOT, round_iter, 0)
    for g in range(nch - 4, nch):
        scatter_desc(g, g % NSLOT).wait()


@functools.partial(jax.jit, static_argnums=(2, 3))
def _sc_gather(ids, word_emb, tok_base, n_chunk):
    tpw = n_chunk // NW
    mesh = plsc.VectorSubcoreMesh(core_axis_name="c", subcore_axis_name="s")
    run = pl.kernel(
        functools.partial(_gather_body, tok_base, n_chunk),
        out_type=jax.ShapeDtypeStruct((n_chunk, H), jnp.float32),
        mesh=mesh,
        scratch_types=(
            [pltpu.VMEM((tpw,), jnp.int32)]
            + [pltpu.VMEM((C, H), jnp.float32)] * NSLOT
            + [pltpu.SemaphoreType.DMA] * (2 * NSLOT)
        ),
    )
    return run(ids, word_emb)



def _ln_math(x_ref, t_ref, b0_ref, bd_ref, gam_ref, bet_ref, o_ref):
    x = x_ref[...]
    t = t_ref[...].astype(jnp.float32)
    base = b0_ref[...] + t * bd_ref[...]
    x = x + base
    s1 = jnp.sum(x, axis=-1, keepdims=True)
    s2 = jnp.sum(x * x, axis=-1, keepdims=True)
    mean = s1 * (1.0 / H)
    var = s2 * (1.0 / H) - mean * mean
    inv = lax.rsqrt(var + 1e-5)
    o_ref[...] = ((x - mean) * inv) * gam_ref[...] + bet_ref[...]


def _ln_body_acc(acc_ref, x_ref, t_ref, b0_ref, bd_ref, gam_ref, bet_ref,
                 o_ref):
    del acc_ref
    _ln_math(x_ref, t_ref, b0_ref, bd_ref, gam_ref, bet_ref, o_ref)


def _tc_ln_chunk(acc, rows_k, tids, b0, bd, gamma, beta, n_total, blk0):
    m = rows_k.shape[0]
    grid = (m // RB,)
    small = [
        pl.BlockSpec((RB, 1), lambda i: (i + blk0, 0)),
        pl.BlockSpec((1, H), lambda i: (0, 0)),
        pl.BlockSpec((1, H), lambda i: (0, 0)),
        pl.BlockSpec((1, H), lambda i: (0, 0)),
        pl.BlockSpec((1, H), lambda i: (0, 0)),
    ]
    rows_spec = pl.BlockSpec((RB, H), lambda i: (i, 0))
    out_spec = pl.BlockSpec((RB, H), lambda i: (i + blk0, 0))
    out_shape = jax.ShapeDtypeStruct((n_total, H), jnp.float32)
    if acc is None:
        return pl.pallas_call(
            _ln_math, grid=grid,
            in_specs=[rows_spec] + small,
            out_specs=out_spec, out_shape=out_shape,
        )(rows_k, tids, b0, bd, gamma, beta)
    return pl.pallas_call(
        _ln_body_acc, grid=grid,
        in_specs=[pl.BlockSpec(memory_space=pl.ANY), rows_spec] + small,
        out_specs=out_spec, out_shape=out_shape,
        input_output_aliases={0: 0},
    )(acc, rows_k, tids, b0, bd, gamma, beta)


def kernel(input_ids, token_type_ids, word_emb, type_emb, pos_emb,
           ln_gamma, ln_beta):
    b, s1, s = input_ids.shape
    n = b * s1 * s
    ids = input_ids.reshape(-1).astype(jnp.int32)
    tids = token_type_ids.reshape(-1, 1).astype(jnp.int32)
    b0 = (type_emb[0] + pos_emb[0]).reshape(1, H)
    bd = (type_emb[1] - type_emb[0]).reshape(1, H)
    gam = ln_gamma.astype(jnp.float32).reshape(1, H)
    bet = ln_beta.astype(jnp.float32).reshape(1, H)

    sizes = (n // 2, n // 2)
    offs = (0, n // 2)
    rows = [_sc_gather(ids[o:o + m], word_emb, 0, m)
            for o, m in zip(offs, sizes)]
    acc = None
    for k, (o, m) in enumerate(zip(offs, sizes)):
        acc = _tc_ln_chunk(acc, rows[k], tids, b0, bd, gam, bet,
                           n, o // RB)
    return acc.reshape(b, s1, s, H)

# --- scband reference (transcript-rebuilt; emitter-appended) ---
"""Pipeline reference for scband-bert-embeddings-72344429134317 (READ-ONLY COPY).

The authoritative reference and input builder live on the scoring server;
editing this copy changes nothing except your own understanding.
"""

import jax, jax.numpy as jnp
import numpy as np

B, S = 4, 8192
VOCAB, TYPE_VOCAB, H, MAX_LEN = 100000, 2, 768, 512


def setup_inputs(seed: int = 0) -> dict:
    key = jax.random.key(seed)
    ks = jax.random.split(key, 5)
    return {
        "input_ids": jax.random.randint(ks[0], (B, 1, S), 0, VOCAB),
        "token_type_ids": jax.random.randint(ks[1], (B, 1, S), 0, TYPE_VOCAB),
        "word_emb": jax.random.normal(ks[2], (VOCAB, H), dtype=jnp.float32) * 0.02,
        "type_emb": jax.random.normal(ks[3], (TYPE_VOCAB, H), dtype=jnp.float32) * 0.02,
        "pos_emb": jax.random.normal(ks[4], (MAX_LEN, H), dtype=jnp.float32) * 0.02,
        "ln_gamma": jnp.ones((H,), dtype=jnp.float32),
        "ln_beta": jnp.zeros((H,), dtype=jnp.float32),
    }


def reference(input_ids, token_type_ids, word_emb, type_emb, pos_emb, ln_gamma, ln_beta):
    # mirrors BertEmbeddings.forward: batch, seq_len, hidden = input_ids.size()
    b, seq_len, x = input_ids.shape
    # word + token_type + position embeddings (position uses dim-1 seq_len)
    pos_ids = jnp.arange(seq_len, dtype=jnp.int32)[None, :]  # expand((1, -1))
    emb = (
        jnp.take(word_emb, input_ids, axis=0)
        + jnp.take(type_emb, token_type_ids, axis=0)
        + jnp.take(pos_emb, pos_ids, axis=0)
    )
    # LayerNorm over last dim (eps=1e-5, torch default)
    mean = emb.mean(axis=-1, keepdims=True)
    var = ((emb - mean) ** 2).mean(axis=-1, keepdims=True)
    normed = (emb - mean) / jnp.sqrt(var + 1e-5)
    out = normed * ln_gamma + ln_beta
    # dropout p=0.0 (eval/identity)
    return out

if __name__ == "__main__":
    import jax
    _d = setup_inputs()
    print(jax.jit(kernel)(*tuple(_d.values())))

</pallas_src>

<mosaic_0001>
#map = affine_map<(d0, d1) -> (0)>
#map1 = affine_map<(d0, d1) -> (0, 0)>
module attributes {stable_mosaic.version = 14 : i64} {
  func.func @_gather_body(%arg0: i32, %arg1: i32, %arg2: memref<16384xi32, #tpu.memory_space<hbm>>, %arg3: memref<100000x768xf32, #tpu.memory_space<hbm>>, %arg4: memref<16384x768xf32, #tpu.memory_space<hbm>>, %arg5: memref<512xi32, #tpu.memory_space<vmem>>, %arg6: memref<32x768xf32, #tpu.memory_space<vmem>>, %arg7: memref<32x768xf32, #tpu.memory_space<vmem>>, %arg8: memref<32x768xf32, #tpu.memory_space<vmem>>, %arg9: memref<32x768xf32, #tpu.memory_space<vmem>>, %arg10: memref<!tpu.dma_semaphore, #tpu.memory_space<semaphore_mem>>, %arg11: memref<!tpu.dma_semaphore, #tpu.memory_space<semaphore_mem>>, %arg12: memref<!tpu.dma_semaphore, #tpu.memory_space<semaphore_mem>>, %arg13: memref<!tpu.dma_semaphore, #tpu.memory_space<semaphore_mem>>, %arg14: memref<!tpu.dma_semaphore, #tpu.memory_space<semaphore_mem>>, %arg15: memref<!tpu.dma_semaphore, #tpu.memory_space<semaphore_mem>>, %arg16: memref<!tpu.dma_semaphore, #tpu.memory_space<semaphore_mem>>, %arg17: memref<!tpu.dma_semaphore, #tpu.memory_space<semaphore_mem>>) attributes {dimension_semantics = [#tpu.dimension_semantics<core_parallel>, #tpu.dimension_semantics<subcore_parallel>], iteration_bounds = array<i64: 2, 16>, scalar_prefetch = 0 : i64, scratch_operands = 13 : i64, tpu.core_type = #tpu.core_type<sc_vector_subcore>, window_params = [{transform_indices = #map}, {transform_indices = #map1}, {transform_indices = #map1}]} {
    %mul3A = arith.constant 2 : i32
    %mul3A_0 = arith.muli %arg1, %mul3A : i32
    %add3A = arith.addi %mul3A_0, %arg0 : i32
    %mul3A_1 = arith.constant 512 : i32
    %mul3A_2 = arith.muli %add3A, %mul3A_1 : i32
    %add3A_3 = arith.constant 0 : i32
    %add3A_4 = arith.addi %add3A_3, %mul3A_2 : i32
    "tpu.region"() ({
      %run_scoped3A = tpu.sem_alloc : memref<!tpu.dma_semaphore, #tpu.memory_space<semaphore_mem>>
      %dma_start3A_42 = tpu.memref_slice %arg2[%add3A_4] : memref<16384xi32, #tpu.memory_space<hbm>> -> memref<512xi32, #tpu.memory_space<hbm>>
      %dma_start3A_43 = tpu.memref_slice %arg2[%add3A_4] : memref<16384xi32, #tpu.memory_space<hbm>> -> memref<512xi32, #tpu.memory_space<hbm>>
      tpu.enqueue_dma source(%dma_start3A_43 : memref<512xi32, #tpu.memory_space<hbm>>) target(%arg5 : memref<512xi32, #tpu.memory_space<vmem>>) target_semaphore(%run_scoped3A : memref<!tpu.dma_semaphore, #tpu.memory_space<semaphore_mem>>)
      %dma_wait3A_44 = tpu.memref_slice %arg2[%add3A_4] : memref<16384xi32, #tpu.memory_space<hbm>> -> memref<512xi32, #tpu.memory_space<hbm>>
      %dma_wait3A_45 = tpu.memref_slice %arg2[%add3A_4] : memref<16384xi32, #tpu.memory_space<hbm>> -> memref<512xi32, #tpu.memory_space<hbm>>
      tpu.wait_dma2 semaphore(%run_scoped3A : memref<!tpu.dma_semaphore, #tpu.memory_space<semaphore_mem>>) src(%dma_wait3A_45 : memref<512xi32, #tpu.memory_space<hbm>>) dst(%arg5 : memref<512xi32, #tpu.memory_space<vmem>>)
      tpu.yield
    }) : () -> ()
    %dma_start3A = arith.constant 0 : i32
    %dma_start3A_5 = tpu.memref_slice %arg5[%dma_start3A] : memref<512xi32, #tpu.memory_space<vmem>> -> memref<32xi32, #tpu.memory_space<vmem>>
    %dma_start3A_6 = arith.constant 0 : i32
    %dma_start3A_7 = arith.constant 0 : i32
    %dma_start3A_8 = tpu.memref_slice %arg3[%dma_start3A_6, %dma_start3A_7] : memref<100000x768xf32, #tpu.memory_space<hbm>> -> memref<100000x768xf32, #tpu.memory_space<hbm>>
    tpu.enqueue_indirect_dma source(%dma_start3A_8 : memref<100000x768xf32, #tpu.memory_space<hbm>>) target(%arg6 : memref<32x768xf32, #tpu.memory_space<vmem>>) offsets(%dma_start3A_5 : memref<32xi32, #tpu.memory_space<vmem>>) semaphore(%arg10 : memref<!tpu.dma_semaphore, #tpu.memory_space<semaphore_mem>>)
    %dma_start3A_9 = arith.constant 32 : i32
    %dma_start3A_10 = tpu.memref_slice %arg5[%dma_start3A_9] : memref<512xi32, #tpu.memory_space<vmem>> -> memref<32xi32, #tpu.memory_space<vmem>>
    %dma_start3A_11 = arith.constant 0 : i32
    %dma_start3A_12 = arith.constant 0 : i32
    %dma_start3A_13 = tpu.memref_slice %arg3[%dma_start3A_11, %dma_start3A_12] : memref<100000x768xf32, #tpu.memory_space<hbm>> -> memref<100000x768xf32, #tpu.memory_space<hbm>>
    tpu.enqueue_indirect_dma source(%dma_start3A_13 : memref<100000x768xf32, #tpu.memory_space<hbm>>) target(%arg7 : memref<32x768xf32, #tpu.memory_space<vmem>>) offsets(%dma_start3A_10 : memref<32xi32, #tpu.memory_space<vmem>>) semaphore(%arg11 : memref<!tpu.dma_semaphore, #tpu.memory_space<semaphore_mem>>)
    %scan3A = arith.constant 0 : i32
    %scan3A_14 = arith.constant 0 : i32
    %scan3A_15 = arith.constant 4 : i32
    %scan3A_16 = arith.addi %scan3A_14, %scan3A_15 : i32
    %scan3A_17 = arith.constant 1 : i32
    scf.for %scan3A_42 = %scan3A_14 to %scan3A_16 step %scan3A_17  : i32 {
      %mul3A_43 = arith.constant 4 : i32
      %mul3A_44 = arith.muli %scan3A_42, %mul3A_43 : i32
      %add3A_45 = arith.constant 0 : i32
      %add3A_46 = arith.addi %mul3A_44, %add3A_45 : i32
      %mul3A_47 = arith.constant 32 : i32
      %mul3A_48 = arith.muli %add3A_46, %mul3A_47 : i32
      %dma_wait3A_49 = tpu.memref_slice %arg5[%mul3A_48] : memref<512xi32, #tpu.memory_space<vmem>> -> memref<32xi32, #tpu.memory_space<vmem>>
      %dma_wait3A_50 = arith.constant 0 : i32
      %dma_wait3A_51 = arith.constant 0 : i32
      %dma_wait3A_52 = tpu.memref_slice %arg3[%dma_wait3A_50, %dma_wait3A_51] : memref<100000x768xf32, #tpu.memory_space<hbm>> -> memref<100000x768xf32, #tpu.memory_space<hbm>>
      tpu.wait_indirect_dma semaphore(%arg10 : memref<!tpu.dma_semaphore, #tpu.memory_space<semaphore_mem>>) src(%dma_wait3A_52 : memref<100000x768xf32, #tpu.memory_space<hbm>>) dst(%arg6 : memref<32x768xf32, #tpu.memory_space<vmem>>)
      %mul3A_53 = arith.constant 32 : i32
      %mul3A_54 = arith.muli %add3A_46, %mul3A_53 : i32
      %add3A_55 = arith.addi %add3A_4, %mul3A_54 : i32
      %dma_start3A_56 = arith.constant 0 : i32
      %dma_start3A_57 = tpu.memref_slice %arg4[%add3A_55, %dma_start3A_56] : memref<16384x768xf32, #tpu.memory_space<hbm>> -> memref<32x768xf32, #tpu.memory_space<hbm>>
      %dma_start3A_58 = arith.constant 0 : i32
      %dma_start3A_59 = tpu.memref_slice %arg4[%add3A_55, %dma_start3A_58] : memref<16384x768xf32, #tpu.memory_space<hbm>> -> memref<32x768xf32, #tpu.memory_space<hbm>>
      tpu.enqueue_dma source(%arg6 : memref<32x768xf32, #tpu.memory_space<vmem>>) target(%dma_start3A_59 : memref<32x768xf32, #tpu.memory_space<hbm>>) target_semaphore(%arg14 : memref<!tpu.dma_semaphore, #tpu.memory_space<semaphore_mem>>)
      %add3A_60 = arith.constant 2 : i32
      %add3A_61 = arith.addi %add3A_46, %add3A_60 : i32
      %lt3A = arith.constant 16 : i32
      %lt3A_62 = arith.cmpi slt, %add3A_61, %lt3A : i32
      %convert_element_type3A = arith.extui %lt3A_62 : i1 to i32
      %cond3A = arith.constant 0 : i32
      %cond3A_63 = arith.cmpi ne, %convert_element_type3A, %cond3A : i32
      scf.if %cond3A_63 {
        %ge3A = arith.constant 2 : i32
        %ge3A_136 = arith.cmpi sge, %add3A_46, %ge3A : i32
        %convert_element_type3A_137 = arith.extui %ge3A_136 : i1 to i32
        %cond3A_138 = arith.constant 0 : i32
        %cond3A_139 = arith.cmpi ne, %convert_element_type3A_137, %cond3A_138 : i32
        scf.if %cond3A_139 {
          %sub3A = arith.constant 2 : i32
          %sub3A_148 = arith.subi %add3A_46, %sub3A : i32
          %mul3A_149 = arith.constant 32 : i32
          %mul3A_150 = arith.muli %sub3A_148, %mul3A_149 : i32
          %add3A_151 = arith.addi %add3A_4, %mul3A_150 : i32
          %dma_wait3A_152 = arith.constant 0 : i32
          %dma_wait3A_153 = tpu.memref_slice %arg4[%add3A_151, %dma_wait3A_152] : memref<16384x768xf32, #tpu.memory_space<hbm>> -> memref<32x768xf32, #tpu.memory_space<hbm>>
          %dma_wait3A_154 = arith.constant 0 : i32
          %dma_wait3A_155 = tpu.memref_slice %arg4[%add3A_151, %dma_wait3A_154] : memref<16384x768xf32, #tpu.memory_space<hbm>> -> memref<32x768xf32, #tpu.memory_space<hbm>>
          tpu.wait_dma2 semaphore(%arg16 : memref<!tpu.dma_semaphore, #tpu.memory_space<semaphore_mem>>) src(%arg8 : memref<32x768xf32, #tpu.memory_space<vmem>>) dst(%dma_wait3A_155 : memref<32x768xf32, #tpu.memory_space<hbm>>)
        } else {
        }
        %add3A_140 = arith.constant 2 : i32
        %add3A_141 = arith.addi %add3A_46, %add3A_140 : i32
        %mul3A_142 = arith.constant 32 : i32
        %mul3A_143 = arith.muli %add3A_141, %mul3A_142 : i32
        %dma_start3A_144 = tpu.memref_slice %arg5[%mul3A_143] : memref<512xi32, #tpu.memory_space<vmem>> -> memref<32xi32, #tpu.memory_space<vmem>>
        %dma_start3A_145 = arith.constant 0 : i32
        %dma_start3A_146 = arith.constant 0 : i32
        %dma_start3A_147 = tpu.memref_slice %arg3[%dma_start3A_145, %dma_start3A_146] : memref<100000x768xf32, #tpu.memory_space<hbm>> -> memref<100000x768xf32, #tpu.memory_space<hbm>>
        tpu.enqueue_indirect_dma source(%dma_start3A_147 : memref<100000x768xf32, #tpu.memory_space<hbm>>) target(%arg8 : memref<32x768xf32, #tpu.memory_space<vmem>>) offsets(%dma_start3A_144 : memref<32xi32, #tpu.memory_space<vmem>>) semaphore(%arg12 : memref<!tpu.dma_semaphore, #tpu.memory_space<semaphore_mem>>)
      } else {
      }
      %mul3A_64 = arith.constant 4 : i32
      %mul3A_65 = arith.muli %scan3A_42, %mul3A_64 : i32
      %add3A_66 = arith.constant 1 : i32
      %add3A_67 = arith.addi %mul3A_65, %add3A_66 : i32
      %mul3A_68 = arith.constant 32 : i32
      %mul3A_69 = arith.muli %add3A_67, %mul3A_68 : i32
      %dma_wait3A_70 = tpu.memref_slice %arg5[%mul3A_69] : memref<512xi32, #tpu.memory_space<vmem>> -> memref<32xi32, #tpu.memory_space<vmem>>
      %dma_wait3A_71 = arith.constant 0 : i32
      %dma_wait3A_72 = arith.constant 0 : i32
      %dma_wait3A_73 = tpu.memref_slice %arg3[%dma_wait3A_71, %dma_wait3A_72] : memref<100000x768xf32, #tpu.memory_space<hbm>> -> memref<100000x768xf32, #tpu.memory_space<hbm>>
      tpu.wait_indirect_dma semaphore(%arg11 : memref<!tpu.dma_semaphore, #tpu.memory_space<semaphore_mem>>) src(%dma_wait3A_73 : memref<100000x768xf32, #tpu.memory_space<hbm>>) dst(%arg7 : memref<32x768xf32, #tpu.memory_space<vmem>>)
      %mul3A_74 = arith.constant 32 : i32
      %mul3A_75 = arith.muli %add3A_67, %mul3A_74 : i32
      %add3A_76 = arith.addi %add3A_4, %mul3A_75 : i32
      %dma_start3A_77 = arith.constant 0 : i32
      %dma_start3A_78 = tpu.memref_slice %arg4[%add3A_76, %dma_start3A_77] : memref<16384x768xf32, #tpu.memory_space<hbm>> -> memref<32x768xf32, #tpu.memory_space<hbm>>
      %dma_start3A_79 = arith.constant 0 : i32
      %dma_start3A_80 = tpu.memref_slice %arg4[%add3A_76, %dma_start3A_79] : memref<16384x768xf32, #tpu.memory_space<hbm>> -> memref<32x768xf32, #tpu.memory_space<hbm>>
      tpu.enqueue_dma source(%arg7 : memref<32x768xf32, #tpu.memory_space<vmem>>) target(%dma_start3A_80 : memref<32x768xf32, #tpu.memory_space<hbm>>) target_semaphore(%arg15 : memref<!tpu.dma_semaphore, #tpu.memory_space<semaphore_mem>>)
      %add3A_81 = arith.constant 2 : i32
      %add3A_82 = arith.addi %add3A_67, %add3A_81 : i32
      %lt3A_83 = arith.constant 16 : i32
      %lt3A_84 = arith.cmpi slt, %add3A_82, %lt3A_83 : i32
      %convert_element_type3A_85 = arith.extui %lt3A_84 : i1 to i32
      %cond3A_86 = arith.constant 0 : i32
      %cond3A_87 = arith.cmpi ne, %convert_element_type3A_85, %cond3A_86 : i32
      scf.if %cond3A_87 {
        %ge3A = arith.constant 2 : i32
        %ge3A_136 = arith.cmpi sge, %add3A_67, %ge3A : i32
        %convert_element_type3A_137 = arith.extui %ge3A_136 : i1 to i32
        %cond3A_138 = arith.constant 0 : i32
        %cond3A_139 = arith.cmpi ne, %convert_element_type3A_137, %cond3A_138 : i32
        scf.if %cond3A_139 {
          %sub3A = arith.constant 2 : i32
          %sub3A_148 = arith.subi %add3A_67, %sub3A : i32
          %mul3A_149 = arith.constant 32 : i32
          %mul3A_150 = arith.muli %sub3A_148, %mul3A_149 : i32
          %add3A_151 = arith.addi %add3A_4, %mul3A_150 : i32
          %dma_wait3A_152 = arith.constant 0 : i32
          %dma_wait3A_153 = tpu.memref_slice %arg4[%add3A_151, %dma_wait3A_152] : memref<16384x768xf32, #tpu.memory_space<hbm>> -> memref<32x768xf32, #tpu.memory_space<hbm>>
          %dma_wait3A_154 = arith.constant 0 : i32
          %dma_wait3A_155 = tpu.memref_slice %arg4[%add3A_151, %dma_wait3A_154] : memref<16384x768xf32, #tpu.memory_space<hbm>> -> memref<32x768xf32, #tpu.memory_space<hbm>>
          tpu.wait_dma2 semaphore(%arg17 : memref<!tpu.dma_semaphore, #tpu.memory_space<semaphore_mem>>) src(%arg9 : memref<32x768xf32, #tpu.memory_space<vmem>>) dst(%dma_wait3A_155 : memref<32x768xf32, #tpu.memory_space<hbm>>)
        } else {
        }
        %add3A_140 = arith.constant 2 : i32
        %add3A_141 = arith.addi %add3A_67, %add3A_140 : i32
        %mul3A_142 = arith.constant 32 : i32
        %mul3A_143 = arith.muli %add3A_141, %mul3A_142 : i32
        %dma_start3A_144 = tpu.memref_slice %arg5[%mul3A_143] : memref<512xi32, #tpu.memory_space<vmem>> -> memref<32xi32, #tpu.memory_space<vmem>>
        %dma_start3A_145 = arith.constant 0 : i32
        %dma_start3A_146 = arith.constant 0 : i32
        %dma_start3A_147 = tpu.memref_slice %arg3[%dma_start3A_145, %dma_start3A_146] : memref<100000x768xf32, #tpu.memory_space<hbm>> -> memref<100000x768xf32, #tpu.memory_space<hbm>>
        tpu.enqueue_indirect_dma source(%dma_start3A_147 : memref<100000x768xf32, #tpu.memory_space<hbm>>) target(%arg9 : memref<32x768xf32, #tpu.memory_space<vmem>>) offsets(%dma_start3A_144 : memref<32xi32, #tpu.memory_space<vmem>>) semaphore(%arg13 : memref<!tpu.dma_semaphore, #tpu.memory_space<semaphore_mem>>)
      } else {
      }
      %mul3A_88 = arith.constant 4 : i32
      %mul3A_89 = arith.muli %scan3A_42, %mul3A_88 : i32
      %add3A_90 = arith.constant 2 : i32
      %add3A_91 = arith.addi %mul3A_89, %add3A_90 : i32
      %mul3A_92 = arith.constant 32 : i32
      %mul3A_93 = arith.muli %add3A_91, %mul3A_92 : i32
      %dma_wait3A_94 = tpu.memref_slice %arg5[%mul3A_93] : memref<512xi32, #tpu.memory_space<vmem>> -> memref<32xi32, #tpu.memory_space<vmem>>
      %dma_wait3A_95 = arith.constant 0 : i32
      %dma_wait3A_96 = arith.constant 0 : i32
      %dma_wait3A_97 = tpu.memref_slice %arg3[%dma_wait3A_95, %dma_wait3A_96] : memref<100000x768xf32, #tpu.memory_space<hbm>> -> memref<100000x768xf32, #tpu.memory_space<hbm>>
      tpu.wait_indirect_dma semaphore(%arg12 : memref<!tpu.dma_semaphore, #tpu.memory_space<semaphore_mem>>) src(%dma_wait3A_97 : memref<100000x768xf32, #tpu.memory_space<hbm>>) dst(%arg8 : memref<32x768xf32, #tpu.memory_space<vmem>>)
      %mul3A_98 = arith.constant 32 : i32
      %mul3A_99 = arith.muli %add3A_91, %mul3A_98 : i32
      %add3A_100 = arith.addi %add3A_4, %mul3A_99 : i32
      %dma_start3A_101 = arith.constant 0 : i32
      %dma_start3A_102 = tpu.memref_slice %arg4[%add3A_100, %dma_start3A_101] : memref<16384x768xf32, #tpu.memory_space<hbm>> -> memref<32x768xf32, #tpu.memory_space<hbm>>
      %dma_start3A_103 = arith.constant 0 : i32
      %dma_start3A_104 = tpu.memref_slice %arg4[%add3A_100, %dma_start3A_103] : memref<16384x768xf32, #tpu.memory_space<hbm>> -> memref<32x768xf32, #tpu.memory_space<hbm>>
      tpu.enqueue_dma source(%arg8 : memref<32x768xf32, #tpu.memory_space<vmem>>) target(%dma_start3A_104 : memref<32x768xf32, #tpu.memory_space<hbm>>) target_semaphore(%arg16 : memref<!tpu.dma_semaphore, #tpu.memory_space<semaphore_mem>>)
      %add3A_105 = arith.constant 2 : i32
      %add3A_106 = arith.addi %add3A_91, %add3A_105 : i32
      %lt3A_107 = arith.constant 16 : i32
      %lt3A_108 = arith.cmpi slt, %add3A_106, %lt3A_107 : i32
      %convert_element_type3A_109 = arith.extui %lt3A_108 : i1 to i32
      %cond3A_110 = arith.constant 0 : i32
      %cond3A_111 = arith.cmpi ne, %convert_element_type3A_109, %cond3A_110 : i32
      scf.if %cond3A_111 {
        %ge3A = arith.constant 2 : i32
        %ge3A_136 = arith.cmpi sge, %add3A_91, %ge3A : i32
        %convert_element_type3A_137 = arith.extui %ge3A_136 : i1 to i32
        %cond3A_138 = arith.constant 0 : i32
        %cond3A_139 = arith.cmpi ne, %convert_element_type3A_137, %cond3A_138 : i32
        scf.if %cond3A_139 {
          %sub3A = arith.constant 2 : i32
          %sub3A_148 = arith.subi %add3A_91, %sub3A : i32
          %mul3A_149 = arith.constant 32 : i32
          %mul3A_150 = arith.muli %sub3A_148, %mul3A_149 : i32
          %add3A_151 = arith.addi %add3A_4, %mul3A_150 : i32
          %dma_wait3A_152 = arith.constant 0 : i32
          %dma_wait3A_153 = tpu.memref_slice %arg4[%add3A_151, %dma_wait3A_152] : memref<16384x768xf32, #tpu.memory_space<hbm>> -> memref<32x768xf32, #tpu.memory_space<hbm>>
          %dma_wait3A_154 = arith.constant 0 : i32
          %dma_wait3A_155 = tpu.memref_slice %arg4[%add3A_151, %dma_wait3A_154] : memref<16384x768xf32, #tpu.memory_space<hbm>> -> memref<32x768xf32, #tpu.memory_space<hbm>>
          tpu.wait_dma2 semaphore(%arg14 : memref<!tpu.dma_semaphore, #tpu.memory_space<semaphore_mem>>) src(%arg6 : memref<32x768xf32, #tpu.memory_space<vmem>>) dst(%dma_wait3A_155 : memref<32x768xf32, #tpu.memory_space<hbm>>)
        } else {
        }
        %add3A_140 = arith.constant 2 : i32
        %add3A_141 = arith.addi %add3A_91, %add3A_140 : i32
        %mul3A_142 = arith.constant 32 : i32
        %mul3A_143 = arith.muli %add3A_141, %mul3A_142 : i32
        %dma_start3A_144 = tpu.memref_slice %arg5[%mul3A_143] : memref<512xi32, #tpu.memory_space<vmem>> -> memref<32xi32, #tpu.memory_space<vmem>>
        %dma_start3A_145 = arith.constant 0 : i32
        %dma_start3A_146 = arith.constant 0 : i32
        %dma_start3A_147 = tpu.memref_slice %arg3[%dma_start3A_145, %dma_start3A_146] : memref<100000x768xf32, #tpu.memory_space<hbm>> -> memref<100000x768xf32, #tpu.memory_space<hbm>>
        tpu.enqueue_indirect_dma source(%dma_start3A_147 : memref<100000x768xf32, #tpu.memory_space<hbm>>) target(%arg6 : memref<32x768xf32, #tpu.memory_space<vmem>>) offsets(%dma_start3A_144 : memref<32xi32, #tpu.memory_space<vmem>>) semaphore(%arg10 : memref<!tpu.dma_semaphore, #tpu.memory_space<semaphore_mem>>)
      } else {
      }
      %mul3A_112 = arith.constant 4 : i32
      %mul3A_113 = arith.muli %scan3A_42, %mul3A_112 : i32
      %add3A_114 = arith.constant 3 : i32
      %add3A_115 = arith.addi %mul3A_113, %add3A_114 : i32
      %mul3A_116 = arith.constant 32 : i32
      %mul3A_117 = arith.muli %add3A_115, %mul3A_116 : i32
      %dma_wait3A_118 = tpu.memref_slice %arg5[%mul3A_117] : memref<512xi32, #tpu.memory_space<vmem>> -> memref<32xi32, #tpu.memory_space<vmem>>
      %dma_wait3A_119 = arith.constant 0 : i32
      %dma_wait3A_120 = arith.constant 0 : i32
      %dma_wait3A_121 = tpu.memref_slice %arg3[%dma_wait3A_119, %dma_wait3A_120] : memref<100000x768xf32, #tpu.memory_space<hbm>> -> memref<100000x768xf32, #tpu.memory_space<hbm>>
      tpu.wait_indirect_dma semaphore(%arg13 : memref<!tpu.dma_semaphore, #tpu.memory_space<semaphore_mem>>) src(%dma_wait3A_121 : memref<100000x768xf32, #tpu.memory_space<hbm>>) dst(%arg9 : memref<32x768xf32, #tpu.memory_space<vmem>>)
      %mul3A_122 = arith.constant 32 : i32
      %mul3A_123 = arith.muli %add3A_115, %mul3A_122 : i32
      %add3A_124 = arith.addi %add3A_4, %mul3A_123 : i32
      %dma_start3A_125 = arith.constant 0 : i32
      %dma_start3A_126 = tpu.memref_slice %arg4[%add3A_124, %dma_start3A_125] : memref<16384x768xf32, #tpu.memory_space<hbm>> -> memref<32x768xf32, #tpu.memory_space<hbm>>
      %dma_start3A_127 = arith.constant 0 : i32
      %dma_start3A_128 = tpu.memref_slice %arg4[%add3A_124, %dma_start3A_127] : memref<16384x768xf32, #tpu.memory_space<hbm>> -> memref<32x768xf32, #tpu.memory_space<hbm>>
      tpu.enqueue_dma source(%arg9 : memref<32x768xf32, #tpu.memory_space<vmem>>) target(%dma_start3A_128 : memref<32x768xf32, #tpu.memory_space<hbm>>) target_semaphore(%arg17 : memref<!tpu.dma_semaphore, #tpu.memory_space<semaphore_mem>>)
      %add3A_129 = arith.constant 2 : i32
      %add3A_130 = arith.addi %add3A_115, %add3A_129 : i32
      %lt3A_131 = arith.constant 16 : i32
      %lt3A_132 = arith.cmpi slt, %add3A_130, %lt3A_131 : i32
      %convert_element_type3A_133 = arith.extui %lt3A_132 : i1 to i32
      %cond3A_134 = arith.constant 0 : i32
      %cond3A_135 = arith.cmpi ne, %convert_element_type3A_133, %cond3A_134 : i32
      scf.if %cond3A_135 {
        %ge3A = arith.constant 2 : i32
        %ge3A_136 = arith.cmpi sge, %add3A_115, %ge3A : i32
        %convert_element_type3A_137 = arith.extui %ge3A_136 : i1 to i32
        %cond3A_138 = arith.constant 0 : i32
        %cond3A_139 = arith.cmpi ne, %convert_element_type3A_137, %cond3A_138 : i32
        scf.if %cond3A_139 {
          %sub3A = arith.constant 2 : i32
          %sub3A_148 = arith.subi %add3A_115, %sub3A : i32
          %mul3A_149 = arith.constant 32 : i32
          %mul3A_150 = arith.muli %sub3A_148, %mul3A_149 : i32
          %add3A_151 = arith.addi %add3A_4, %mul3A_150 : i32
          %dma_wait3A_152 = arith.constant 0 : i32
          %dma_wait3A_153 = tpu.memref_slice %arg4[%add3A_151, %dma_wait3A_152] : memref<16384x768xf32, #tpu.memory_space<hbm>> -> memref<32x768xf32, #tpu.memory_space<hbm>>
          %dma_wait3A_154 = arith.constant 0 : i32
          %dma_wait3A_155 = tpu.memref_slice %arg4[%add3A_151, %dma_wait3A_154] : memref<16384x768xf32, #tpu.memory_space<hbm>> -> memref<32x768xf32, #tpu.memory_space<hbm>>
          tpu.wait_dma2 semaphore(%arg15 : memref<!tpu.dma_semaphore, #tpu.memory_space<semaphore_mem>>) src(%arg7 : memref<32x768xf32, #tpu.memory_space<vmem>>) dst(%dma_wait3A_155 : memref<32x768xf32, #tpu.memory_space<hbm>>)
        } else {
        }
        %add3A_140 = arith.constant 2 : i32
        %add3A_141 = arith.addi %add3A_115, %add3A_140 : i32
        %mul3A_142 = arith.constant 32 : i32
        %mul3A_143 = arith.muli %add3A_141, %mul3A_142 : i32
        %dma_start3A_144 = tpu.memref_slice %arg5[%mul3A_143] : memref<512xi32, #tpu.memory_space<vmem>> -> memref<32xi32, #tpu.memory_space<vmem>>
        %dma_start3A_145 = arith.constant 0 : i32
        %dma_start3A_146 = arith.constant 0 : i32
        %dma_start3A_147 = tpu.memref_slice %arg3[%dma_start3A_145, %dma_start3A_146] : memref<100000x768xf32, #tpu.memory_space<hbm>> -> memref<100000x768xf32, #tpu.memory_space<hbm>>
        tpu.enqueue_indirect_dma source(%dma_start3A_147 : memref<100000x768xf32, #tpu.memory_space<hbm>>) target(%arg7 : memref<32x768xf32, #tpu.memory_space<vmem>>) offsets(%dma_start3A_144 : memref<32xi32, #tpu.memory_space<vmem>>) semaphore(%arg11 : memref<!tpu.dma_semaphore, #tpu.memory_space<semaphore_mem>>)
      } else {
      }
    }
    %scan3A_18 = arith.constant 4 : i32
    %add3A_19 = arith.constant 384 : i32
    %add3A_20 = arith.addi %add3A_4, %add3A_19 : i32
    %dma_wait3A = arith.constant 0 : i32
    %dma_wait3A_21 = tpu.memref_slice %arg4[%add3A_20, %dma_wait3A] : memref<16384x768xf32, #tpu.memory_space<hbm>> -> memref<32x768xf32, #tpu.memory_space<hbm>>
    %dma_wait3A_22 = arith.constant 0 : i32
    %dma_wait3A_23 = tpu.memref_slice %arg4[%add3A_20, %dma_wait3A_22] : memref<16384x768xf32, #tpu.memory_space<hbm>> -> memref<32x768xf32, #tpu.memory_space<hbm>>
    tpu.wait_dma2 semaphore(%arg14 : memref<!tpu.dma_semaphore, #tpu.memory_space<semaphore_mem>>) src(%arg6 : memref<32x768xf32, #tpu.memory_space<vmem>>) dst(%dma_wait3A_23 : memref<32x768xf32, #tpu.memory_space<hbm>>)
    %add3A_24 = arith.constant 416 : i32
    %add3A_25 = arith.addi %add3A_4, %add3A_24 : i32
    %dma_wait3A_26 = arith.constant 0 : i32
    %dma_wait3A_27 = tpu.memref_slice %arg4[%add3A_25, %dma_wait3A_26] : memref<16384x768xf32, #tpu.memory_space<hbm>> -> memref<32x768xf32, #tpu.memory_space<hbm>>
    %dma_wait3A_28 = arith.constant 0 : i32
    %dma_wait3A_29 = tpu.memref_slice %arg4[%add3A_25, %dma_wait3A_28] : memref<16384x768xf32, #tpu.memory_space<hbm>> -> memref<32x768xf32, #tpu.memory_space<hbm>>
    tpu.wait_dma2 semaphore(%arg15 : memref<!tpu.dma_semaphore, #tpu.memory_space<semaphore_mem>>) src(%arg7 : memref<32x768xf32, #tpu.memory_space<vmem>>) dst(%dma_wait3A_29 : memref<32x768xf32, #tpu.memory_space<hbm>>)
    %add3A_30 = arith.constant 448 : i32
    %add3A_31 = arith.addi %add3A_4, %add3A_30 : i32
    %dma_wait3A_32 = arith.constant 0 : i32
    %dma_wait3A_33 = tpu.memref_slice %arg4[%add3A_31, %dma_wait3A_32] : memref<16384x768xf32, #tpu.memory_space<hbm>> -> memref<32x768xf32, #tpu.memory_space<hbm>>
    %dma_wait3A_34 = arith.constant 0 : i32
    %dma_wait3A_35 = tpu.memref_slice %arg4[%add3A_31, %dma_wait3A_34] : memref<16384x768xf32, #tpu.memory_space<hbm>> -> memref<32x768xf32, #tpu.memory_space<hbm>>
    tpu.wait_dma2 semaphore(%arg16 : memref<!tpu.dma_semaphore, #tpu.memory_space<semaphore_mem>>) src(%arg8 : memref<32x768xf32, #tpu.memory_space<vmem>>) dst(%dma_wait3A_35 : memref<32x768xf32, #tpu.memory_space<hbm>>)
    %add3A_36 = arith.constant 480 : i32
    %add3A_37 = arith.addi %add3A_4, %add3A_36 : i32
    %dma_wait3A_38 = arith.constant 0 : i32
    %dma_wait3A_39 = tpu.memref_slice %arg4[%add3A_37, %dma_wait3A_38] : memref<16384x768xf32, #tpu.memory_space<hbm>> -> memref<32x768xf32, #tpu.memory_space<hbm>>
    %dma_wait3A_40 = arith.constant 0 : i32
    %dma_wait3A_41 = tpu.memref_slice %arg4[%add3A_37, %dma_wait3A_40] : memref<16384x768xf32, #tpu.memory_space<hbm>> -> memref<32x768xf32, #tpu.memory_space<hbm>>
    tpu.wait_dma2 semaphore(%arg17 : memref<!tpu.dma_semaphore, #tpu.memory_space<semaphore_mem>>) src(%arg9 : memref<32x768xf32, #tpu.memory_space<vmem>>) dst(%dma_wait3A_41 : memref<32x768xf32, #tpu.memory_space<hbm>>)
    return
  }
}

</mosaic_0001>

<sc_bundles>
// kernel: _sc_gather.3.cloned.1.call-start
scs
__scs_entry_jumppad:
0x0: {  	(pc) =	sbr.rel $0x88, $3  }
0x1: {  	(tag) =	ssettag $0x0;
	lr =	simm.s32 $0x1  }
0x2: {  	[smem:$0x3F9F] =	sst lr;
	_ =	strace $0xD0000000  }
0x3: {  	_ = 	snop  }
0x4: {  	_ = 	snop  }
0x5: {  	_ = 	snop  }
0x6: {  	_ = 	snop  }
0x7: {  	_ = 	snop  }
__scs_overlays_trampoline_lowered:
0x8: {  	[smem:$0x3FAE] =	sst s0  }
0x9: {  	[smem:$0x3FAF] =	sst s1  }
0xa: {  	[smem:$0x3FB0] =	sst s2  }
0xb: {  	[smem:$0x3FB1] =	sst s3  }
0xc: {  	[smem:$0x3FB2] =	sst s4  }
0xd: {  	[smem:$0x3FB3] =	sst s5  }
0xe: {  	[smem:$0x3FB4] =	sst s6  }
0xf: {  	[smem:$0x3FB5] =	sst s7  }
0x10: {  	[smem:$0x3FB6] =	sst s8  }
0x11: {  	[smem:$0x3FB7] =	sst s9;
	s0 =	simm.s32 @!p0 $0x0  }
0x12: {  	s1 =	sld [smem:$0x3F9D];
	s0 =	simm.s32 @p0 $0x1  }
0x13: {  	[smem:$0x3FB8] =	sst s0;
	s0 =	simm.s32 @!p1 $0x0  }
0x14: {  	s2 =	sld [smem:$0x3F9C];
	s0 =	simm.s32 @p1 $0x1  }
0x15: {  	[smem:$0x3FB9] =	sst s0;
	s0 =	simm.s32 @!p2 $0x0  }
0x16: {  	s3 =	sld [smem:$0x3FDB];
	s0 =	simm.s32 @p2 $0x1  }
0x17: {  	s4 =	simm.s32 $0x1BF5;
	[smem:$0x3FBB] =	sst s0  }
0x18: {  	s0 =	sld [smem:$0x3F9E];
	_ =	swait.ge [sflag:s4], $0x0  }
0x19: {  	s7 =	sld [smem:$0x3F9F]  }
0x1a: {  	s8 =	sadd.s32 $0xFFFFE003, lr  }
0x1b: {  	s9 =	sadd.s32 $0xFFFFFEF7, lr;
	s5 =	simm.s32 $0xFFFFFFFF;
	p2 =	slt.u32 s8, $0xFFFFF086  }
0x1c: {  	p1 =	slt.u32 s9, $0xF7A;
	s5 =	simm.s32 @!p2 $0x0  }
0x1d: {  	s5 =	simm.s32 @p1 $0x1;
	p0 =	seq.s32 s7, s2  }
0x1e: {  	s7 =	smul.u32 @!p0 $0xF7A, s2;
	p2 =	seq.s32 @!p0 s5, $0x0  }
0x1f: {  	s9 =	smul.u32 $0xF7A, s1;
	s8 =	simm.s32 @!p0 $0x1BF5;
	p2 =	por !p2, p0  }
0x20: {  	[sflag:s8] =	ssyncset.s32 @!p0 $0xFFFFF086;
	s6 =	sadd.s32 @!p0 s3, s7;
	s7 =	simm.s32 @!p0 $0x108  }
0x21: {  	s3 =	sadd.s32 s3, s9;
	s6 =	sadd.s32 @!p0 $0x88, s6;
	s7 =	simm.s32 @p2 $0x1082  }
0x22: {  	[simem:s7], [sflag:s8] =	dma.local @!p0 [hbm:s6], $0xF7A  }
0x23: {  	s9 =	sor.u32 $0xD0000000, s2;
	s6 =	simm.s32 $0x108;
	_ =	swait.ge @!p0 [sflag:s8], $0x0  }
0x24: {  	s3 =	sadd.s32 $0x88, s3;
	s6 =	simm.s32 @!p1 $0x1082;
	[sflag:s4] =	ssyncset.s32 $0xFFFFF086  }
0x25: {  	[simem:s6], [sflag:s4] =	dma.local [hbm:s3], $0xF7A  }
0x26: {  	[smem:$0x3F9F] =	sst s1;
	(tag) =	ssettag s2;
	_ =	strace s9  }
0x27: {  	s1 =	sld [smem:$0x3FAF]  }
0x28: {  	s2 =	sld [smem:$0x3FB0]  }
0x29: {  	s4 =	sld [smem:$0x3FB2]  }
0x2a: {  	p0 =	seq.s32 s5, $0x0;
	s5 =	sld [smem:$0x3FB3]  }
0x2b: {  	s6 =	sld [smem:$0x3FB4]  }
0x2c: {  	s7 =	sld [smem:$0x3FB5]  }
0x2d: {  	s3 =	simm.s32 $0x108;
	s8 =	sld [smem:$0x3FB6]  }
0x2e: {  	s3 =	simm.s32 @!p0 $0x1082;
	s9 =	sld [smem:$0x3FB7]  }
0x2f: {  	lr =	sadd.s32 s0, s3;
	s0 =	sld [smem:$0x3FAE]  }
0x30: {  	s3 =	sld [smem:$0x3FB1]  }
0x31: {  	[smem:$0x3FBA] =	sst s10  }
0x32: {  	s10 =	sld [smem:$0x3FB8];
	_ =	sdelay $0x3  }
0x33: {  	p0 =	seq.s32 s10, $0x1;
	s10 =	sld [smem:$0x3FBA];
	_ =	sdelay $0x3  }
0x34: {  	[smem:$0x3FBA] =	sst s10  }
0x35: {  	s10 =	sld [smem:$0x3FB9];
	_ =	sdelay $0x3  }
0x36: {  	p1 =	seq.s32 s10, $0x1;
	s10 =	sld [smem:$0x3FBA];
	_ =	sdelay $0x3  }
0x37: {  	[smem:$0x3FBA] =	sst s10  }
0x38: {  	s10 =	sld [smem:$0x3FBB]  }
0x39: {  	_ = 	snop;
	(pc) =	sbr.ind lr, $3  }
0x3a: {  	_ = 	snop  }
0x3b: {  	_ = 	snop  }
0x3c: {  	p2 =	seq.s32 s10, $0x1;
	s10 =	sld [smem:$0x3FBA]  }
0x3d: {  	_ =	shalt  }
0x3e: {  	_ =	shalt  }
0x3f: {  	_ =	shalt  }
0x40: {  	_ =	shalt  }
0x41: {  	_ =	shalt  }
0x42: {  	_ =	shalt  }
0x43: {  	_ =	shalt  }
0x44: {  	_ =	shalt  }
0x45: {  	_ =	shalt  }
0x46: {  	_ =	shalt  }
0x47: {  	_ =	shalt  }
0x48: {  	_ =	shalt  }
0x49: {  	_ =	shalt  }
0x4a: {  	_ =	shalt  }
0x4b: {  	_ =	shalt  }
0x4c: {  	_ =	shalt  }
0x4d: {  	_ =	shalt  }
0x4e: {  	_ =	shalt  }
0x4f: {  	_ =	shalt  }
0x50: {  	_ =	shalt  }
0x51: {  	_ =	shalt  }
0x52: {  	_ =	shalt  }
0x53: {  	_ =	shalt  }
0x54: {  	_ =	shalt  }
0x55: {  	_ =	shalt  }
0x56: {  	_ =	shalt  }
0x57: {  	_ =	shalt  }
0x58: {  	_ =	shalt  }
0x59: {  	_ =	shalt  }
0x5a: {  	_ =	shalt  }
0x5b: {  	_ =	shalt  }
0x5c: {  	_ =	shalt  }
0x5d: {  	_ =	shalt  }
0x5e: {  	_ =	shalt  }
0x5f: {  	_ =	shalt  }
0x60: {  	_ =	shalt  }
0x61: {  	_ =	shalt  }
0x62: {  	_ =	shalt  }
0x63: {  	_ =	shalt  }
0x64: {  	_ =	shalt  }
0x65: {  	_ =	shalt  }
0x66: {  	_ =	shalt  }
0x67: {  	_ =	shalt  }
0x68: {  	_ =	shalt  }
0x69: {  	_ =	shalt  }
0x6a: {  	_ =	shalt  }
0x6b: {  	_ =	shalt  }
0x6c: {  	_ =	shalt  }
0x6d: {  	_ =	shalt  }
0x6e: {  	_ =	shalt  }
0x6f: {  	_ =	shalt  }
0x70: {  	_ =	shalt  }
0x71: {  	_ =	shalt  }
0x72: {  	_ =	shalt  }
0x73: {  	_ =	shalt  }
0x74: {  	_ =	shalt  }
0x75: {  	_ =	shalt  }
0x76: {  	_ =	shalt  }
0x77: {  	_ =	shalt  }
0x78: {  	_ =	shalt  }
0x79: {  	_ =	shalt  }
0x7a: {  	_ =	shalt  }
0x7b: {  	_ =	shalt  }
0x7c: {  	_ =	shalt  }
0x7d: {  	_ =	shalt  }
0x7e: {  	_ =	shalt  }
0x7f: {  	_ =	shalt  }
0x80: {  	_ =	shalt  }
0x81: {  	_ =	shalt  }
0x82: {  	_ =	shalt  }
0x83: {  	_ =	shalt  }
0x84: {  	_ =	shalt  }
0x85: {  	_ =	shalt  }
0x86: {  	_ =	shalt  }
0x87: {  	_ =	shalt  }
.Lfunc_end0:
.L_simem_size_0:
called_computation_lowered:
.L_overlay_start_0:
0x88: {  	s2 =	sld [smem:$0x3FD9]  }
0x89: {  	s3 =	sld [smem:$0x3FFE];
	_ =	sdelay $0x1  }
0x8a: {  	s1 =	srdreg.scid  }
0x8b: {  	s0 =	sand.u32 $0x1, s1  }
0x8c: {  	s18 =	sshll.u32 s0, $0xA;
	s2 =	sadd.s32 s3, s2  }
0x8d: {  	s2 =	sadd.s32 s2, s18  }
0x8e: {  	[smem:$0x3FC6] =	sst s2  }
0x8f: {  	_ = 	snop  }
0x90: {  	s2 =	sld [smem:$0x3FC9]  }
0x91: {  	s19 =	sld [smem:$0x3FC8]  }
0x92: {  	s4 =	sld [smem:$0x3FD0];
	(tm) =	ssettm $0x1  }
0x93: {  	s5 =	sld [smem:$0x3FFB];
	_ =	sdelay $0x3  }
0x94: {  	_ =	strace s5  }
0x95: {  	s5 =	sld [smem:$0x3FFC];
	_ =	sdelay $0x3  }
0x96: {  	_ =	strace s5  }
0x97: {  	s5 =	sld [smem:$0x3FFD];
	_ =	sdelay $0x3  }
0x98: {  	_ =	strace s5  }
0x99: {  	_ =	strace $0x8FFFFFFF  }
0x9a: {  	s20 =	sld [smem:$0x3FDB];
	_ =	sdelay $0x1  }
0x9b: {  	s6 =	simm.s32 $_scs_section_size  }
0x9c: {  	s7 =	simm.s32 $_size__tile_overlayer_lowered;
	s8 =	simm.s32 $_tile_overlayer_lowered  }
0x9d: {  	s23 =	simm.s32 $0x1BFF;
	s22 =	sshll.u32 s8, $0x1;
	s5 =	sadd.s32 s6, s20  }
0x9e: {  	s9 =	simm.s32 $0x0;
	s21 =	sshll.u32 s7, $0x1;
	s7 =	sadd.s32 s22, s5  }
0x9f: {  	[timem:s9], [sflag:s23] =	dma.local [hbm:s7], s21  }
0xa0: {  	_ =	swait.ge [sflag:s23], s21  }
0xa1: {  	s6 =	ssub.s32 $0x0, s21;
	[sflag:s23] =	ssyncset.done $0x0  }
0xa2: {  	[sflag:s23] =	ssyncadd.s32 s6;
	_ =	sdelay $0x1  }
0xa3: {  	s24 =	simm.s32 $0x1B8B  }
0xa4: {  	_ =	swait.ge [sflag:s24], $0x1  }
0xa5: {  	[sflag:s24] =	ssyncset.done $0x0  }
0xa6: {  	s25 =	simm.s32 $0x1B8E;
	[sflag:s24] =	ssyncadd.s32 $0xFFFFFFFF  }
0xa7: {  	s26 =	simm.s32 $execute0_lowered;
	[smem:$0x3FD2] =	sst s25  }
0xa8: {  	s6 =	sshll.u32 s26, $0x1;
	_ =	strace $0x80000046;
	[dreg:$0x1] =	wrdreg $0xFFFFFFFF  }
0xa9: {  	s28 =	simm.s32 $_size_execute0_lowered;
	s5 =	sadd.s32 s5, s6;
	[dreg:$0x0] =	wrdreg $0x0  }
0xaa: {  	s6 =	sshll.u32 s28, $0x1;
	[dreg:$0x2] =	wrdreg s5  }
0xab: {  	[dreg:$0x3] =	wrdreg s6  }
0xac: {  	[dreg:$0x4] =	wrdreg $0xC0  }
0xad: {  	_ =	task [dreg:s9], $0x5FFFF  }
0xae: {  	[dreg:$0x1] =	wrdreg $0xFFFFFFFF  }
0xaf: {  	[dreg:$0x0] =	wrdreg $0x60  }
0xb0: {  	[dreg:$0x2] =	wrdreg s2  }
0xb1: {  	[dreg:$0x3] =	wrdreg s19  }
0xb2: {  	[dreg:$0x4] =	wrdreg s4  }
0xb3: {  	[dreg:$0x5] =	wrdreg $0x9  }
0xb4: {  	_ =	task.clear_ibuf [dreg:s9], $0x6FFFF;
	_ =	strace $0x90000046  }
0xb5: {  	s29 =	simm.s32 $0x9;
	_ =	strace $0x80000048  }
0xb6: {  	_ =	swait.ge [sflag:s29], $0x1  }
0xb7: {  	[sflag:s29] =	ssyncadd.s32 $0xFFFFFFFF  }
0xb8: {  	_ =	strace $0x90000048  }
0xb9: {  	_ =	sfence  }
0xba: {  	s30 =	sld [smem:$0x0];
	_ =	sdelay $0x2  }
0xbb: {  	s31 =	sshll.u32 s1, $0xD;
	s1 =	sshrl.u32 s1, $0x2  }
0xbc: {  	s3 =	sand.u32 $0x4000, s31;
	s1 =	sadd.s32 s1, s30  }
0xbd: {  	s0 =	sor.u32 s3, s0;
	s1 =	sshll.u32 s1, $0x11  }
0xbe: {  	s0 =	sor.u32 s1, s0  }
0xbf: {  	s0 =	sadd.s32 $0x8F2B, s0  }
0xc0: {  	[sflag:s0] =	ssyncadd.remote.s32 $0x1  }
0xc1: {  	_ =	sfence.sel $0xFFFF  }
0xc2: {  	[dreg:$0x0] =	wrdreg $0xFFFFFFFF;
	(pc) =	sbr.abs _section_cstart, $3  }
0xc3: {  	[dreg:$0x1] =	wrdreg $0xFFFFFFFF  }
0xc4: {  	_ =	task.clear_ibuf [dreg:s9], $0x2FFFF;
	_ =	strace $0x9FFFFFFF  }
0xc5: {  	(tm) =	ssettm $0x7FFFFFFF  }
tec
execute0_lowered:
.L_overlay_start_1:
0x0: {  	(tag) =	ssettag $0x1  }
0x1: {  	s0 =	rddreg [dreg:$0x0]  }
0x2: {  	s2 =	rddreg [dreg:$0x1]  }
0x3: {  	s1 =	rddreg [dreg:$0x2]  }
0x4: {  	s3 =	srdreg.scid;
	s5 =	stileid.u32;
	s16 =	simm.s32 $0x1  }
0x5: {  	s17 =	simm.s32 $0xC200;
	s28 =	simm.s32 $0x12200;
	s29 =	simm.s32 $0x12A00  }
0x6: {  	s30 =	simm.s32 $0x13200;
	s31 =	simm.s32 $0x13A00;
	s13 =	simm.s32 $0x15200  }
0x7: {  	s14 =	simm.s32 $0x15A00;
	s15 =	simm.s32 $0x16200;
	s18 =	simm.s32 $0x16A00  }
0x8: {  	s19 =	simm.s32 $0x17200;
	s20 =	simm.s32 $0x17A00;
	s21 =	simm.s32 $0x3  }
0x9: {  	s22 =	simm.s32 $0x4;
	s23 =	simm.s32 $0x6;
	s11 =	simm.s32 $0x0  }
0xa: {  	s4 =	sand.u32 $0x1, s3;
	s3 =	simm.s32 $0x0;
	s5 =	sshll.u32 s5, $0xA  }
0xb: {  	s6 =	sshll.u32 s4, $0x9;
	[smem:$0x7FF] =	sst s3;
	s4 =	ssub.s32 $0x2, s4  }
0xc: {  	s5 =	sor.u32 s6, s5;
	_ =	strace $0x80000047;
	s8 =	sshrl.u32 s4, $0x1  }
0xd: {  	s6 =	sor.u32 $0x40, s5;
	s7 =	sor.u32 $0x60, s5;
	s25 =	sshrl.u32 s5, $0x3  }
0xe: {  	s4 =	ssub.s32 s4, s8;
	s6 =	sshrl.u32 s6, $0x3;
	s26 =	smul.u32 $0x300, s25  }
0xf: {  	s5 =	sadd.s32 $0x100, s2;
	s24 =	sshrl.u32 s7, $0x3;
	s9 =	smul.u32 $0x300, s6  }
.Ltmp0:
0x10: {  	s0 =	sadd.s32 s0, s25;
	s4 =	smax.u32 s4, $0x1;
	(pc) =	sbr.rel .LBB2_1-.Ltmp0, $4  }
0x11: {  	s25 =	simm.s32 $0x11A00;
	s10 =	smul.u32 $0x300, s24;
	[dreg:$0x4] =	wrdreg s0  }
0x12: {  	v2 =	vlaneseq.u32;
	s6 =	sadd.s32 $0x200, s2;
	[dreg:$0x5] =	wrdreg s4;
	s24 =	simm.s32 $0x6200  }
0x13: {  	vm0 =	vmmov $0xffff;
	v1 =	vshrl.u32 v2, $0x3;
	s0 =	simm.s32 $0x14200;
	s8 =	sadd.s32 s9, s1;
	s9 =	sadd.s32 s10, s1  }
0x14: {  	v0 =	vand.u32 $0x7, v2;
	v2 =	vor.u32 $0x8, v2;
	v1 =	vmul.u32 $0x8, v1;
	s10 =	sadd.s32 s26, s1;
	s26 =	simm.s32 $0x2;
	s1 =	simm.s32 $0x14A00  }
.LBB2_4:
0x15: {  	s4 =	simm.s32 $0x5  }
0x16: {  	_ =	swait.ge [sflag:s4], $0x6000  }
0x17: {  	[sflag:s4] =	ssyncset.done $0x0  }
0x18: {  	[sflag:s4] =	ssyncadd.s32 $0xFFFFA000  }
0x19: {  	_ =	swait.ge [sflag:s23], $0x6000  }
0x1a: {  	[sflag:s23] =	ssyncset.done $0x0  }
0x1b: {  	s11 =	simm.s32 $0x7;
	[sflag:s23] =	ssyncadd.s32 $0xFFFFA000  }
0x1c: {  	_ =	swait.ge [sflag:s11], $0x6000  }
0x1d: {  	[sflag:s11] =	ssyncset.done $0x0  }
0x1e: {  	s7 =	simm.s32 $0x8;
	[sflag:s11] =	ssyncadd.s32 $0xFFFFA000  }
0x1f: {  	_ =	swait.ge [sflag:s7], $0x6000  }
0x20: {  	s11 =	rddreg [dreg:$0x6]  }
0x21: {  	s12 =	rddreg [dreg:$0x5];
	s11 =	sadd.s32 $0x1, s11  }
0x22: {  	p0 =	sne.s32 s11, s12  }
.Ltmp1:
0x23: {  	_ = 	snop;
	(pc) =	sbr.rel @!p0 .LBB2_5-.Ltmp1, $3  }
0x24: {  	_ =	sdelay $0x1  }
0x25: {  	[sflag:s7] =	ssyncset.done $0x0  }
0x26: {  	[sflag:s7] =	ssyncadd.s32 $0xFFFFA000  }
.LBB2_1:
0x27: {  	[dreg:$0x6] =	wrdreg s11  }
0x28: {  	s4 =	rddreg [dreg:$0x4];
	s7 =	simm.s32 $0x9  }
0x29: {  	[tilespmem:s3], [sflag:$0x9] =	stream.linear.gather [hbm4b:s4+s3], $0x200, $0x38;
	[tilespmem:$0x18200] =	vst v63  }
0x2a: {  	_ =	swait.ge [sflag:s7], $0x200  }
0x2b: {  	[sflag:s7] =	ssyncset.done $0x0  }
0x2c: {  	[sflag:s7] =	ssyncadd.s32 $0xFFFFFE00  }
0x2d: {  	v3 =	vld [tilespmem:$0x0];
	_ =	sdelay $0x4  }
0x2e: {  	v4 =	vshrl.u32 v3, $0x3  }
0x2f: {  	v4 =	vmul.u32 $0x30, v4  }
0x30: {  	v3 =	vand.u32 $0x7, v3  }
0x31: {  	v3 =	vor.u32 v3, v4  }
0x32: {  	v4 =	vperm.xlane v3, v0;
	_ =	sdelay $0x1  }
0x33: {  	v4 =	vadd.s32 v1, v4;
	_ =	sdelay $0x3  }
0x34: {  	s11 =	simm.s32 $0x200;
	v3 =	vperm.xlane v3, v2  }
0x35: {  	[tilespmem:s11], [sflag:$0x1] =	stream.indirect_vreg.gather [hbm4b:s2+s3], $0x80, v4, vm0, $0xb8;
	[tilespmem:$0x18200] =	vst v63  }
0x36: {  	s12 =	simm.s32 $0xA00;
	v3 =	vadd.s32 v1, v3  }
0x37: {  	[tilespmem:s12], [sflag:$0x1] =	stream.indirect_vreg.gather [hbm4b:s5+s3], $0x80, v4, vm0, $0xb8;
	[tilespmem:$0x18200] =	vst v63  }
0x38: {  	s7 =	simm.s32 $0x1200  }
0x39: {  	[tilespmem:s7], [sflag:$0x1] =	stream.indirect_vreg.gather [hbm4b:s6+s3], $0x80, v4, vm0, $0xb8;
	[tilespmem:$0x18200] =	vst v63  }
0x3a: {  	s11 =	simm.s32 $0x1A00  }
0x3b: {  	[tilespmem:s11], [sflag:$0x1] =	stream.indirect_vreg.gather [hbm4b:s2+s3], $0x80, v3, vm0, $0xb8;
	[tilespmem:$0x18200] =	vst v63  }
0x3c: {  	s12 =	simm.s32 $0x2200  }
0x3d: {  	[tilespmem:s12], [sflag:$0x1] =	stream.indirect_vreg.gather [hbm4b:s5+s3], $0x80, v3, vm0, $0xb8;
	[tilespmem:$0x18200] =	vst v63  }
0x3e: {  	s7 =	simm.s32 $0x2A00  }
0x3f: {  	[tilespmem:s7], [sflag:$0x1] =	stream.indirect_vreg.gather [hbm4b:s6+s3], $0x80, v3, vm0, $0xb8;
	[tilespmem:$0x18200] =	vst v63  }
0x40: {  	v3 =	vld [tilespmem:$0x10];
	_ =	sdelay $0x4  }
0x41: {  	v61 =	vshrl.u32 v3, $0x3  }
0x42: {  	v4 =	vmul.u32 $0x30, v61  }
0x43: {  	v3 =	vand.u32 $0x7, v3  }
0x44: {  	v3 =	vor.u32 v3, v4  }
0x45: {  	v4 =	vperm.xlane v3, v0;
	_ =	sdelay $0x1  }
0x46: {  	v4 =	vadd.s32 v1, v4;
	_ =	sdelay $0x3  }
0x47: {  	s11 =	simm.s32 $0x3200;
	v3 =	vperm.xlane v3, v2  }
0x48: {  	[tilespmem:s11], [sflag:$0x1] =	stream.indirect_vreg.gather [hbm4b:s2+s3], $0x80, v4, vm0, $0xb8;
	[tilespmem:$0x18200] =	vst v63  }
0x49: {  	s12 =	simm.s32 $0x3A00;
	v3 =	vadd.s32 v1, v3  }
0x4a: {  	[tilespmem:s12], [sflag:$0x1] =	stream.indirect_vreg.gather [hbm4b:s5+s3], $0x80, v4, vm0, $0xb8;
	[tilespmem:$0x18200] =	vst v63  }
0x4b: {  	s7 =	simm.s32 $0x4200  }
0x4c: {  	[tilespmem:s7], [sflag:$0x1] =	stream.indirect_vreg.gather [hbm4b:s6+s3], $0x80, v4, vm0, $0xb8;
	[tilespmem:$0x18200] =	vst v63  }
0x4d: {  	s11 =	simm.s32 $0x4A00  }
0x4e: {  	[tilespmem:s11], [sflag:$0x1] =	stream.indirect_vreg.gather [hbm4b:s2+s3], $0x80, v3, vm0, $0xb8;
	[tilespmem:$0x18200] =	vst v63  }
0x4f: {  	s12 =	simm.s32 $0x5200  }
0x50: {  	[tilespmem:s12], [sflag:$0x1] =	stream.indirect_vreg.gather [hbm4b:s5+s3], $0x80, v3, vm0, $0xb8;
	[tilespmem:$0x18200] =	vst v63  }
0x51: {  	s7 =	simm.s32 $0x5A00  }
0x52: {  	[tilespmem:s7], [sflag:$0x1] =	stream.indirect_vreg.gather [hbm4b:s6+s3], $0x80, v3, vm0, $0xb8;
	[tilespmem:$0x18200] =	vst v63  }
0x53: {  	v3 =	vld [tilespmem:$0x20];
	_ =	sdelay $0x4  }
0x54: {  	v62 =	vshrl.u32 v3, $0x3  }
0x55: {  	v4 =	vmul.u32 $0x30, v62  }
0x56: {  	v3 =	vand.u32 $0x7, v3  }
0x57: {  	v3 =	vor.u32 v3, v4  }
0x58: {  	v4 =	vperm.xlane v3, v0;
	_ =	sdelay $0x1  }
0x59: {  	v4 =	vadd.s32 v1, v4;
	_ =	sdelay $0x3  }
0x5a: {  	v3 =	vperm.xlane v3, v2  }
0x5b: {  	[tilespmem:s24], [sflag:$0x2] =	stream.indirect_vreg.gather [hbm4b:s2+s3], $0x80, v4, vm0, $0xb8;
	[tilespmem:$0x18200] =	vst v63  }
0x5c: {  	s11 =	simm.s32 $0x6A00;
	v3 =	vadd.s32 v1, v3  }
0x5d: {  	[tilespmem:s11], [sflag:$0x2] =	stream.indirect_vreg.gather [hbm4b:s5+s3], $0x80, v4, vm0, $0xb8;
	[tilespmem:$0x18200] =	vst v63  }
0x5e: {  	s12 =	simm.s32 $0x7200  }
0x5f: {  	[tilespmem:s12], [sflag:$0x2] =	stream.indirect_vreg.gather [hbm4b:s6+s3], $0x80, v4, vm0, $0xb8;
	[tilespmem:$0x18200] =	vst v63  }
0x60: {  	s7 =	simm.s32 $0x7A00  }
0x61: {  	[tilespmem:s7], [sflag:$0x2] =	stream.indirect_vreg.gather [hbm4b:s2+s3], $0x80, v3, vm0, $0xb8;
	[tilespmem:$0x18200] =	vst v63  }
0x62: {  	s11 =	simm.s32 $0x8200  }
0x63: {  	[tilespmem:s11], [sflag:$0x2] =	stream.indirect_vreg.gather [hbm4b:s5+s3], $0x80, v3, vm0, $0xb8;
	[tilespmem:$0x18200] =	vst v63  }
0x64: {  	s12 =	simm.s32 $0x8A00  }
0x65: {  	[tilespmem:s12], [sflag:$0x2] =	stream.indirect_vreg.gather [hbm4b:s6+s3], $0x80, v3, vm0, $0xb8;
	[tilespmem:$0x18200] =	vst v63  }
0x66: {  	v3 =	vld [tilespmem:$0x30];
	_ =	sdelay $0x4  }
0x67: {  	v63 =	vshrl.u32 v3, $0x3  }
0x68: {  	v4 =	vmul.u32 $0x30, v63  }
0x69: {  	v3 =	vand.u32 $0x7, v3  }
0x6a: {  	v3 =	vor.u32 v3, v4  }
0x6b: {  	v4 =	vperm.xlane v3, v0;
	_ =	sdelay $0x1  }
0x6c: {  	v4 =	vadd.s32 v1, v4;
	_ =	sdelay $0x3  }
0x6d: {  	s7 =	simm.s32 $0x9200;
	v3 =	vperm.xlane v3, v2  }
0x6e: {  	[tilespmem:s7], [sflag:$0x2] =	stream.indirect_vreg.gather [hbm4b:s2+s3], $0x80, v4, vm0, $0xb8;
	[tilespmem:$0x18200] =	vst v63  }
0x6f: {  	s11 =	simm.s32 $0x9A00;
	v3 =	vadd.s32 v1, v3  }
0x70: {  	[tilespmem:s11], [sflag:$0x2] =	stream.indirect_vreg.gather [hbm4b:s5+s3], $0x80, v4, vm0, $0xb8;
	[tilespmem:$0x18200] =	vst v63  }
0x71: {  	s12 =	simm.s32 $0xA200  }
0x72: {  	[tilespmem:s12], [sflag:$0x2] =	stream.indirect_vreg.gather [hbm4b:s6+s3], $0x80, v4, vm0, $0xb8;
	[tilespmem:$0x18200] =	vst v63  }
0x73: {  	s7 =	simm.s32 $0xAA00  }
0x74: {  	[tilespmem:s7], [sflag:$0x2] =	stream.indirect_vreg.gather [hbm4b:s2+s3], $0x80, v3, vm0, $0xb8;
	[tilespmem:$0x18200] =	vst v63  }
0x75: {  	s11 =	simm.s32 $0xB200  }
0x76: {  	[tilespmem:s11], [sflag:$0x2] =	stream.indirect_vreg.gather [hbm4b:s5+s3], $0x80, v3, vm0, $0xb8;
	[tilespmem:$0x18200] =	vst v63  }
0x77: {  	s4 =	simm.s32 $0x60;
	s12 =	simm.s32 $0xBA00;
	s7 =	simm.s32 $0x0  }
0x78: {  	[tilespmem:s12], [sflag:$0x2] =	stream.indirect_vreg.gather [hbm4b:s6+s3], $0x80, v3, vm0, $0xb8;
	[tilespmem:$0x18200] =	vst v63  }
.LBB2_2:
0x79: {  	_ =	swait.ge [sflag:s16], $0x6000  }
0x7a: {  	s11 =	sadd.s32 s7, s10;
	[sflag:s16] =	ssyncset.done $0x0  }
0x7b: {  	s12 =	simm.s32 $0x200;
	p0 =	seq.s32 s7, $0x0;
	[sflag:s16] =	ssyncadd.s32 $0xFFFFA000  }
0x7c: {  	[hbm4b:s11+s3] =	stream.linear.scatter [tilespmem:s12], [sflag:$0x5], $0x6000, $0x38;
	[tilespmem:$0x18200] =	vst v63  }
0x7d: {  	s12 =	simm.s32 @!p0 $0x7  }
0x7e: {  	_ =	swait.ge @!p0 [sflag:s12], $0x6000  }
0x7f: {  	[sflag:s12] =	ssyncset.done @!p0 $0x0  }
0x80: {  	[sflag:s12] =	ssyncadd.s32 @!p0 $0xFFFFA000  }
0x81: {  	v3 =	vld [tilespmem:s4+$0xFFFFFFE0];
	_ =	sdelay $0x4  }
0x82: {  	v4 =	vshrl.u32 v3, $0x3  }
0x83: {  	v4 =	vmul.u32 $0x30, v4  }
0x84: {  	v3 =	vand.u32 $0x7, v3  }
0x85: {  	v3 =	vor.u32 v3, v4  }
0x86: {  	v4 =	vperm.xlane v3, v0;
	_ =	sdelay $0x1  }
0x87: {  	v4 =	vadd.s32 v1, v4;
	_ =	sdelay $0x3  }
0x88: {  	v3 =	vperm.xlane v3, v2  }
0x89: {  	[tilespmem:s17], [sflag:$0x3] =	stream.indirect_vreg.gather [hbm4b:s2+s3], $0x80, v4, vm0, $0xb8;
	[tilespmem:$0x18200] =	vst v63  }
0x8a: {  	s12 =	simm.s32 $0xCA00;
	v3 =	vadd.s32 v1, v3  }
0x8b: {  	[tilespmem:s12], [sflag:$0x3] =	stream.indirect_vreg.gather [hbm4b:s5+s3], $0x80, v4, vm0, $0xb8;
	[tilespmem:$0x18200] =	vst v63  }
0x8c: {  	s12 =	simm.s32 $0xD200  }
0x8d: {  	[tilespmem:s12], [sflag:$0x3] =	stream.indirect_vreg.gather [hbm4b:s6+s3], $0x80, v4, vm0, $0xb8;
	[tilespmem:$0x18200] =	vst v63  }
0x8e: {  	s12 =	simm.s32 $0xDA00  }
0x8f: {  	[tilespmem:s12], [sflag:$0x3] =	stream.indirect_vreg.gather [hbm4b:s2+s3], $0x80, v3, vm0, $0xb8;
	[tilespmem:$0x18200] =	vst v63  }
0x90: {  	s12 =	simm.s32 $0xE200  }
0x91: {  	[tilespmem:s12], [sflag:$0x3] =	stream.indirect_vreg.gather [hbm4b:s5+s3], $0x80, v3, vm0, $0xb8;
	[tilespmem:$0x18200] =	vst v63  }
0x92: {  	s12 =	simm.s32 $0xEA00  }
0x93: {  	[tilespmem:s12], [sflag:$0x3] =	stream.indirect_vreg.gather [hbm4b:s6+s3], $0x80, v3, vm0, $0xb8;
	[tilespmem:$0x18200] =	vst v63  }
0x94: {  	v3 =	vld [tilespmem:s4+$0xFFFFFFF0];
	_ =	sdelay $0x4  }
0x95: {  	v61 =	vshrl.u32 v3, $0x3  }
0x96: {  	v4 =	vmul.u32 $0x30, v61  }
0x97: {  	v3 =	vand.u32 $0x7, v3  }
0x98: {  	v3 =	vor.u32 v3, v4  }
0x99: {  	v4 =	vperm.xlane v3, v0;
	_ =	sdelay $0x1  }
0x9a: {  	v4 =	vadd.s32 v1, v4;
	_ =	sdelay $0x3  }
0x9b: {  	s12 =	simm.s32 $0xF200;
	v3 =	vperm.xlane v3, v2  }
0x9c: {  	[tilespmem:s12], [sflag:$0x3] =	stream.indirect_vreg.gather [hbm4b:s2+s3], $0x80, v4, vm0, $0xb8;
	[tilespmem:$0x18200] =	vst v63  }
0x9d: {  	v3 =	vadd.s32 v1, v3;
	s12 =	simm.s32 $0xFA00  }
0x9e: {  	[tilespmem:s12], [sflag:$0x3] =	stream.indirect_vreg.gather [hbm4b:s5+s3], $0x80, v4, vm0, $0xb8;
	[tilespmem:$0x18200] =	vst v63  }
0x9f: {  	s12 =	simm.s32 $0x10200  }
0xa0: {  	[tilespmem:s12], [sflag:$0x3] =	stream.indirect_vreg.gather [hbm4b:s6+s3], $0x80, v4, vm0, $0xb8;
	[tilespmem:$0x18200] =	vst v63  }
0xa1: {  	s12 =	simm.s32 $0x10A00  }
0xa2: {  	[tilespmem:s12], [sflag:$0x3] =	stream.indirect_vreg.gather [hbm4b:s2+s3], $0x80, v3, vm0, $0xb8;
	[tilespmem:$0x18200] =	vst v63  }
0xa3: {  	s12 =	simm.s32 $0x11200  }
0xa4: {  	[tilespmem:s12], [sflag:$0x3] =	stream.indirect_vreg.gather [hbm4b:s5+s3], $0x80, v3, vm0, $0xb8;
	[tilespmem:$0x18200] =	vst v63  }
0xa5: {  	_ = 	snop  }
0xa6: {  	[tilespmem:s25], [sflag:$0x3] =	stream.indirect_vreg.gather [hbm4b:s6+s3], $0x80, v3, vm0, $0xb8;
	[tilespmem:$0x18200] =	vst v63  }
0xa7: {  	_ =	swait.ge [sflag:s26], $0x6000  }
0xa8: {  	[sflag:s26] =	ssyncset.done $0x0  }
0xa9: {  	s11 =	sadd.s32 $0xC00, s11;
	[sflag:s26] =	ssyncadd.s32 $0xFFFFA000  }
0xaa: {  	[hbm4b:s11+s3] =	stream.linear.scatter [tilespmem:s24], [sflag:$0x6], $0x6000, $0x38;
	[tilespmem:$0x18200] =	vst v63  }
0xab: {  	s11 =	simm.s32 @!p0 $0x8  }
0xac: {  	_ =	swait.ge @!p0 [sflag:s11], $0x6000  }
0xad: {  	[sflag:s11] =	ssyncset.done @!p0 $0x0  }
0xae: {  	[sflag:s11] =	ssyncadd.s32 @!p0 $0xFFFFA000  }
0xaf: {  	v3 =	vld [tilespmem:s4+$0x0];
	_ =	sdelay $0x4  }
0xb0: {  	v62 =	vshrl.u32 v3, $0x3  }
0xb1: {  	v4 =	vmul.u32 $0x30, v62  }
0xb2: {  	v3 =	vand.u32 $0x7, v3  }
0xb3: {  	v3 =	vor.u32 v3, v4  }
0xb4: {  	v4 =	vperm.xlane v3, v0;
	_ =	sdelay $0x1  }
0xb5: {  	v4 =	vadd.s32 v1, v4;
	_ =	sdelay $0x3  }
0xb6: {  	v3 =	vperm.xlane v3, v2  }
0xb7: {  	[tilespmem:s28], [sflag:$0x4] =	stream.indirect_vreg.gather [hbm4b:s2+s3], $0x80, v4, vm0, $0xb8;
	[tilespmem:$0x18200] =	vst v63  }
0xb8: {  	v3 =	vadd.s32 v1, v3  }
0xb9: {  	[tilespmem:s29], [sflag:$0x4] =	stream.indirect_vreg.gather [hbm4b:s5+s3], $0x80, v4, vm0, $0xb8;
	[tilespmem:$0x18200] =	vst v63  }
0xba: {  	_ = 	snop  }
0xbb: {  	[tilespmem:s30], [sflag:$0x4] =	stream.indirect_vreg.gather [hbm4b:s6+s3], $0x80, v4, vm0, $0xb8;
	[tilespmem:$0x18200] =	vst v63  }
0xbc: {  	_ = 	snop  }
0xbd: {  	[tilespmem:s31], [sflag:$0x4] =	stream.indirect_vreg.gather [hbm4b:s2+s3], $0x80, v3, vm0, $0xb8;
	[tilespmem:$0x18200] =	vst v63  }
0xbe: {  	_ = 	snop  }
0xbf: {  	[tilespmem:s0], [sflag:$0x4] =	stream.indirect_vreg.gather [hbm4b:s5+s3], $0x80, v3, vm0, $0xb8;
	[tilespmem:$0x18200] =	vst v63  }
0xc0: {  	_ = 	snop  }
0xc1: {  	[tilespmem:s1], [sflag:$0x4] =	stream.indirect_vreg.gather [hbm4b:s6+s3], $0x80, v3, vm0, $0xb8;
	[tilespmem:$0x18200] =	vst v63  }
0xc2: {  	v3 =	vld [tilespmem:s4+$0x10];
	_ =	sdelay $0x4  }
0xc3: {  	v63 =	vshrl.u32 v3, $0x3  }
0xc4: {  	v4 =	vmul.u32 $0x30, v63  }
0xc5: {  	v3 =	vand.u32 $0x7, v3  }
0xc6: {  	v3 =	vor.u32 v3, v4  }
0xc7: {  	v4 =	vperm.xlane v3, v0;
	_ =	sdelay $0x1  }
0xc8: {  	v4 =	vadd.s32 v1, v4;
	_ =	sdelay $0x3  }
0xc9: {  	v3 =	vperm.xlane v3, v2  }
0xca: {  	[tilespmem:s13], [sflag:$0x4] =	stream.indirect_vreg.gather [hbm4b:s2+s3], $0x80, v4, vm0, $0xb8;
	[tilespmem:$0x18200] =	vst v63  }
0xcb: {  	v3 =	vadd.s32 v1, v3  }
0xcc: {  	[tilespmem:s14], [sflag:$0x4] =	stream.indirect_vreg.gather [hbm4b:s5+s3], $0x80, v4, vm0, $0xb8;
	[tilespmem:$0x18200] =	vst v63  }
0xcd: {  	_ = 	snop  }
0xce: {  	[tilespmem:s15], [sflag:$0x4] =	stream.indirect_vreg.gather [hbm4b:s6+s3], $0x80, v4, vm0, $0xb8;
	[tilespmem:$0x18200] =	vst v63  }
0xcf: {  	_ = 	snop  }
0xd0: {  	[tilespmem:s18], [sflag:$0x4] =	stream.indirect_vreg.gather [hbm4b:s2+s3], $0x80, v3, vm0, $0xb8;
	[tilespmem:$0x18200] =	vst v63  }
0xd1: {  	_ = 	snop  }
0xd2: {  	[tilespmem:s19], [sflag:$0x4] =	stream.indirect_vreg.gather [hbm4b:s5+s3], $0x80, v3, vm0, $0xb8;
	[tilespmem:$0x18200] =	vst v63  }
0xd3: {  	_ = 	snop  }
0xd4: {  	[tilespmem:s20], [sflag:$0x4] =	stream.indirect_vreg.gather [hbm4b:s6+s3], $0x80, v3, vm0, $0xb8;
	[tilespmem:$0x18200] =	vst v63  }
0xd5: {  	_ =	swait.ge [sflag:s21], $0x6000  }
0xd6: {  	p0 =	seq.s32 s7, $0x9000;
	[sflag:s21] =	ssyncset.done $0x0  }
0xd7: {  	s12 =	sadd.s32 s7, s8;
	s11 =	simm.s32 @!p0 $0x5;
	[sflag:s21] =	ssyncadd.s32 $0xFFFFA000  }
0xd8: {  	[hbm4b:s12+s3] =	stream.linear.scatter [tilespmem:s17], [sflag:$0x7], $0x6000, $0x38;
	[tilespmem:$0x18200] =	vst v63  }
0xd9: {  	_ =	swait.ge @!p0 [sflag:s11], $0x6000  }
0xda: {  	[sflag:s11] =	ssyncset.done @!p0 $0x0  }
0xdb: {  	[sflag:s11] =	ssyncadd.s32 @!p0 $0xFFFFA000  }
0xdc: {  	v3 =	vld @!p0 [tilespmem:s4+$0x20];
	_ =	sdelay $0x4  }
0xdd: {  	v4 =	vshrl.u32 @!p0 v3, $0x3  }
0xde: {  	v4 =	vmul.u32 @!p0 $0x30, v4  }
0xdf: {  	v5 =	vlaneseq.u32 @!p0;
	v3 =	vand.u32 @!p0 $0x7, v3  }
0xe0: {  	v6 =	vshrl.u32 @!p0 v5, $0x3;
	v3 =	vor.u32 @!p0 v3, v4;
	v4 =	vand.u32 @!p0 $0x7, v5  }
0xe1: {  	v6 =	vmul.u32 @!p0 $0x8, v6;
	v7 =	vperm.xlane @!p0 v3, v4;
	_ =	sdelay $0x1  }
0xe2: {  	v7 =	vadd.s32 @!p0 v6, v7;
	_ =	sdelay $0x2  }
0xe3: {  	v5 =	vor.u32 @!p0 $0x8, v5  }
0xe4: {  	vm1 =	vmmov @!p0 $0xffff;
	s12 =	simm.s32 @!p0 $0x200;
	s11 =	simm.s32 @!p0 $0x0;
	v3 =	vperm.xlane @!p0 v3, v5  }
0xe5: {  	[tilespmem:s12], [sflag:$0x1] =	stream.indirect_vreg.gather @!p0 [hbm4b:s2+s11], $0x80, v7, vm1, $0xb8;
	[tilespmem:$0x18200] =	vst v63  }
0xe6: {  	v3 =	vadd.s32 @!p0 v6, v3;
	s12 =	simm.s32 @!p0 $0xA00  }
0xe7: {  	[tilespmem:s12], [sflag:$0x1] =	stream.indirect_vreg.gather @!p0 [hbm4b:s5+s11], $0x80, v7, vm1, $0xb8;
	[tilespmem:$0x18200] =	vst v63  }
0xe8: {  	s12 =	simm.s32 @!p0 $0x1200  }
0xe9: {  	[tilespmem:s12], [sflag:$0x1] =	stream.indirect_vreg.gather @!p0 [hbm4b:s6+s11], $0x80, v7, vm1, $0xb8;
	[tilespmem:$0x18200] =	vst v63  }
0xea: {  	s12 =	simm.s32 @!p0 $0x1A00  }
0xeb: {  	[tilespmem:s12], [sflag:$0x1] =	stream.indirect_vreg.gather @!p0 [hbm4b:s2+s11], $0x80, v3, vm1, $0xb8;
	[tilespmem:$0x18200] =	vst v63  }
0xec: {  	s12 =	simm.s32 @!p0 $0x2200  }
0xed: {  	[tilespmem:s12], [sflag:$0x1] =	stream.indirect_vreg.gather @!p0 [hbm4b:s5+s11], $0x80, v3, vm1, $0xb8;
	[tilespmem:$0x18200] =	vst v63  }
0xee: {  	s12 =	simm.s32 @!p0 $0x2A00  }
0xef: {  	[tilespmem:s12], [sflag:$0x1] =	stream.indirect_vreg.gather @!p0 [hbm4b:s6+s11], $0x80, v3, vm1, $0xb8;
	[tilespmem:$0x18200] =	vst v63  }
0xf0: {  	v3 =	vld @!p0 [tilespmem:s4+$0x30];
	_ =	sdelay $0x4  }
0xf1: {  	v7 =	vshrl.u32 @!p0 v3, $0x3  }
0xf2: {  	v7 =	vmul.u32 @!p0 $0x30, v7  }
0xf3: {  	v3 =	vand.u32 @!p0 $0x7, v3  }
0xf4: {  	v3 =	vor.u32 @!p0 v3, v7  }
0xf5: {  	v4 =	vperm.xlane @!p0 v3, v4;
	_ =	sdelay $0x1  }
0xf6: {  	v4 =	vadd.s32 @!p0 v6, v4;
	_ =	sdelay $0x3  }
0xf7: {  	s12 =	simm.s32 @!p0 $0x3200;
	v3 =	vperm.xlane @!p0 v3, v5  }
0xf8: {  	[tilespmem:s12], [sflag:$0x1] =	stream.indirect_vreg.gather @!p0 [hbm4b:s2+s11], $0x80, v4, vm1, $0xb8;
	[tilespmem:$0x18200] =	vst v63  }
0xf9: {  	v3 =	vadd.s32 @!p0 v6, v3;
	s12 =	simm.s32 @!p0 $0x3A00  }
0xfa: {  	[tilespmem:s12], [sflag:$0x1] =	stream.indirect_vreg.gather @!p0 [hbm4b:s5+s11], $0x80, v4, vm1, $0xb8;
	[tilespmem:$0x18200] =	vst v63  }
0xfb: {  	s12 =	simm.s32 @!p0 $0x4200  }
0xfc: {  	[tilespmem:s12], [sflag:$0x1] =	stream.indirect_vreg.gather @!p0 [hbm4b:s6+s11], $0x80, v4, vm1, $0xb8;
	[tilespmem:$0x18200] =	vst v63  }
0xfd: {  	s12 =	simm.s32 @!p0 $0x4A00  }
0xfe: {  	[tilespmem:s12], [sflag:$0x1] =	stream.indirect_vreg.gather @!p0 [hbm4b:s2+s11], $0x80, v3, vm1, $0xb8;
	[tilespmem:$0x18200] =	vst v63  }
0xff: {  	s12 =	simm.s32 @!p0 $0x5200  }
0x100: {  	[tilespmem:s12], [sflag:$0x1] =	stream.indirect_vreg.gather @!p0 [hbm4b:s5+s11], $0x80, v3, vm1, $0xb8;
	[tilespmem:$0x18200] =	vst v63  }
0x101: {  	s12 =	simm.s32 @!p0 $0x5A00  }
0x102: {  	[tilespmem:s12], [sflag:$0x1] =	stream.indirect_vreg.gather @!p0 [hbm4b:s6+s11], $0x80, v3, vm1, $0xb8;
	[tilespmem:$0x18200] =	vst v63  }
.Ltmp2:
0x103: {  	_ = 	snop;
	(pc) =	sbr.rel @p0 .LBB2_4-.Ltmp2, $4  }
0x104: {  	_ =	swait.ge [sflag:s22], $0x6000  }
0x105: {  	[sflag:s22] =	ssyncset.done $0x0  }
0x106: {  	s12 =	sadd.s32 s7, s9;
	[sflag:s22] =	ssyncadd.s32 $0xFFFFA000  }
0x107: {  	[hbm4b:s12+s3] =	stream.linear.scatter [tilespmem:s28], [sflag:$0x8], $0x6000, $0x38;
	[tilespmem:$0x18200] =	vst v63  }
0x108: {  	_ =	swait.ge [sflag:s23], $0x6000  }
0x109: {  	[sflag:s23] =	ssyncset.done $0x0  }
0x10a: {  	[sflag:s23] =	ssyncadd.s32 $0xFFFFA000  }
0x10b: {  	v3 =	vld [tilespmem:s4+$0x40];
	_ =	sdelay $0x4  }
0x10c: {  	v4 =	vshrl.u32 v3, $0x3  }
0x10d: {  	v4 =	vmul.u32 $0x30, v4  }
0x10e: {  	v3 =	vand.u32 $0x7, v3  }
0x10f: {  	v3 =	vor.u32 v3, v4  }
0x110: {  	v4 =	vperm.xlane v3, v0;
	_ =	sdelay $0x1  }
0x111: {  	v4 =	vadd.s32 v1, v4;
	_ =	sdelay $0x3  }
0x112: {  	v3 =	vperm.xlane v3, v2  }
0x113: {  	[tilespmem:s24], [sflag:$0x2] =	stream.indirect_vreg.gather [hbm4b:s2+s3], $0x80, v4, vm0, $0xb8;
	[tilespmem:$0x18200] =	vst v63  }
0x114: {  	s11 =	simm.s32 $0x6A00;
	v3 =	vadd.s32 v1, v3  }
0x115: {  	[tilespmem:s11], [sflag:$0x2] =	stream.indirect_vreg.gather [hbm4b:s5+s3], $0x80, v4, vm0, $0xb8;
	[tilespmem:$0x18200] =	vst v63  }
0x116: {  	s12 =	simm.s32 $0x7200  }
0x117: {  	[tilespmem:s12], [sflag:$0x2] =	stream.indirect_vreg.gather [hbm4b:s6+s3], $0x80, v4, vm0, $0xb8;
	[tilespmem:$0x18200] =	vst v63  }
0x118: {  	s12 =	simm.s32 $0x7A00  }
0x119: {  	[tilespmem:s12], [sflag:$0x2] =	stream.indirect_vreg.gather [hbm4b:s2+s3], $0x80, v3, vm0, $0xb8;
	[tilespmem:$0x18200] =	vst v63  }
0x11a: {  	s12 =	simm.s32 $0x8200  }
0x11b: {  	[tilespmem:s12], [sflag:$0x2] =	stream.indirect_vreg.gather [hbm4b:s5+s3], $0x80, v3, vm0, $0xb8;
	[tilespmem:$0x18200] =	vst v63  }
0x11c: {  	s12 =	simm.s32 $0x8A00  }
0x11d: {  	[tilespmem:s12], [sflag:$0x2] =	stream.indirect_vreg.gather [hbm4b:s6+s3], $0x80, v3, vm0, $0xb8;
	[tilespmem:$0x18200] =	vst v63  }
0x11e: {  	v3 =	vld [tilespmem:s4+$0x50];
	_ =	sdelay $0x4  }
0x11f: {  	v63 =	vshrl.u32 v3, $0x3  }
0x120: {  	v4 =	vmul.u32 $0x30, v63  }
0x121: {  	v3 =	vand.u32 $0x7, v3  }
0x122: {  	v3 =	vor.u32 v3, v4  }
0x123: {  	v4 =	vperm.xlane v3, v0;
	_ =	sdelay $0x1  }
0x124: {  	v4 =	vadd.s32 v1, v4;
	_ =	sdelay $0x3  }
0x125: {  	s12 =	simm.s32 $0x9200;
	v3 =	vperm.xlane v3, v2  }
0x126: {  	[tilespmem:s12], [sflag:$0x2] =	stream.indirect_vreg.gather [hbm4b:s2+s3], $0x80, v4, vm0, $0xb8;
	[tilespmem:$0x18200] =	vst v63  }
0x127: {  	v3 =	vadd.s32 v1, v3;
	s12 =	simm.s32 $0x9A00  }
0x128: {  	[tilespmem:s12], [sflag:$0x2] =	stream.indirect_vreg.gather [hbm4b:s5+s3], $0x80, v4, vm0, $0xb8;
	[tilespmem:$0x18200] =	vst v63  }
0x129: {  	s12 =	simm.s32 $0xA200  }
0x12a: {  	[tilespmem:s12], [sflag:$0x2] =	stream.indirect_vreg.gather [hbm4b:s6+s3], $0x80, v4, vm0, $0xb8;
	[tilespmem:$0x18200] =	vst v63  }
0x12b: {  	s12 =	simm.s32 $0xAA00  }
0x12c: {  	[tilespmem:s12], [sflag:$0x2] =	stream.indirect_vreg.gather [hbm4b:s2+s3], $0x80, v3, vm0, $0xb8;
	[tilespmem:$0x18200] =	vst v63  }
.Ltmp3:
0x12d: {  	_ = 	snop;
	(pc) =	sbr.rel .LBB2_2-.Ltmp3, $4  }
0x12e: {  	s12 =	simm.s32 $0xB200  }
0x12f: {  	[tilespmem:s12], [sflag:$0x2] =	stream.indirect_vreg.gather [hbm4b:s5+s3], $0x80, v3, vm0, $0xb8;
	[tilespmem:$0x18200] =	vst v63  }
0x130: {  	s7 =	sadd.s32 $0x3000, s7;
	s4 =	sadd.s32 $0x80, s4;
	s12 =	simm.s32 $0xBA00  }
0x131: {  	[tilespmem:s12], [sflag:$0x2] =	stream.indirect_vreg.gather [hbm4b:s6+s3], $0x80, v3, vm0, $0xb8;
	[tilespmem:$0x18200] =	vst v63  }
.LBB2_5:
0x132: {  	_ =	sfence.sel $0x180000  }
0x133: {  	[bflag:$0x0] =	sbarrier.arrive $0xFFFF  }
0x134: {  	_ =	strace $0x90000047  }
0x135: {  	s0 =	stileid.u32;
	[bflag:$0x2] =	sbarrier.arrive $0xFFFF  }
0x136: {  	p0 =	sne.s32 s0, $0x0;
	s0 =	rddreg [dreg:$0x3]  }
0x137: {  	s0 =	sadd.s32 @!p0 $0x100000, s0  }
0x138: {  	[sflag:s0] =	ssyncadd.tile.s32 @!p0 $0x1;
	_ =	shalt  }
.Lfunc_end2:
_tile_overlayer_lowered:
.L_overlay_start_2:
0x139: {  	(tag) =	ssettag $0x2  }
0x13a: {  	s0 =	rddreg [dreg:$0x0];
	s2 =	stileid.u32  }
0x13b: {  	s1 =	rddreg [dreg:$0x1];
	p0 =	sne.s32 s2, $0x0  }
0x13c: {  	s3 =	rddreg [dreg:$0x2];
	[bflag:$0x3] =	sbarrier.arrive $0xFFFF;
	s2 =	simm.s32 @!p0 $0x1C09  }
0x13d: {  	[timem:s3], [sflag:s2] =	dma.local @!p0 [hbm:s0], s1  }
0x13e: {  	s0 =	simm.s32 @!p0 $0x9  }
0x13f: {  	_ =	swait.ge @!p0 [sflag:s0], s1  }
0x140: {  	s1 =	ssub.s32 @!p0 $0x0, s1;
	[sflag:s0] =	ssyncset.done @!p0 $0x0  }
0x141: {  	[sflag:s0] =	ssyncadd.s32 @!p0 s1  }
0x142: {  	[bflag:$0x3] =	sbarrier.arrive $0xFFFF  }
0x143: {  	_ =	shalt  }

</sc_bundles>
